<compile_context>
chip_gen: v7x
topology: tpu7x:2x2x1
jax: 0.10.2.dev20260603
libtpu: 0.0.44.dev20260713+nightly
codegen_flags: <defaults>
</compile_context>

<pallas_src>
import functools

import jax
import jax.numpy as jnp
from jax import lax
from jax.experimental import pallas as pl
from jax.experimental.pallas import tpu as pltpu
from jax.experimental.pallas import tpu_sc as plsc

_NUM_CORES = 2
_NUM_SUBCORES = 16
_NUM_WORKERS = _NUM_CORES * _NUM_SUBCORES
_LANES = 16


@functools.lru_cache(maxsize=None)
def _make_lookup(batch_size: int, vocab: int, dim: int):
    assert batch_size % (_NUM_WORKERS * _LANES) == 0
    assert dim & (dim - 1) == 0 and dim <= _LANES
    b_per_w = batch_size // _NUM_WORKERS
    out_per_w = b_per_w * dim
    n_groups = out_per_w // _LANES
    rep_table = vocab * dim * _LANES

    mesh = plsc.VectorSubcoreMesh(core_axis_name="c", subcore_axis_name="s")

    @functools.partial(
        pl.kernel,
        mesh=mesh,
        out_type=jax.ShapeDtypeStruct((batch_size, dim), jnp.float32),
        scratch_types=[
            pltpu.VMEM((out_per_w,), jnp.int32),
            pltpu.VMEM((rep_table,), jnp.float32),
            pltpu.VMEM((b_per_w, dim), jnp.float32),
        ],
        compiler_params=pltpu.CompilerParams(needs_layout_passes=False),
    )
    def lookup(labrep_hbm, trep_hbm, out_hbm, lab_v, table_v, out_v):
        wid = lax.axis_index("s") * _NUM_CORES + lax.axis_index("c")
        pltpu.sync_copy(trep_hbm, table_v)
        pltpu.sync_copy(labrep_hbm.at[wid], lab_v)
        lane = lax.iota(jnp.int32, _LANES)
        shift = dim.bit_length() - 1
        row0 = lax.shift_right_logical(lane, shift)
        col = lax.bitwise_and(lane, dim - 1)
        cv = col * _LANES + lane
        rows_per_group = _LANES // dim

        @plsc.parallel_loop(0, n_groups, 1, unroll=8)
        def _group(g):
            lab = lab_v[pl.ds(g * _LANES, _LANES)]
            val = plsc.load_gather(
                table_v, [lax.shift_left(lab, shift + 4) + cv]
            )
            plsc.store_scatter(out_v, [row0 + g * rows_per_group, col], val)

        pltpu.sync_copy(out_v, out_hbm.at[pl.ds(wid * b_per_w, b_per_w)])

    return lookup


def kernel(batch, label, table):
    del batch
    (batch_size,) = label.shape
    vocab, dim = table.shape
    labrep = jnp.broadcast_to(label[:, None], (batch_size, dim)).reshape(
        _NUM_WORKERS, (batch_size // _NUM_WORKERS) * dim
    )
    trep = jnp.repeat(table.reshape(-1), _LANES)
    return _make_lookup(batch_size, vocab, dim)(labrep, trep)

# --- scband reference (transcript-rebuilt; emitter-appended) ---
"""Pipeline reference for scband-descriptor-model-49563922596322 (READ-ONLY COPY).

The authoritative reference and input builder live on the scoring server;
editing this copy changes nothing except your own understanding.
"""

import jax, jax.numpy as jnp
import numpy as np

NUM_MOLECULES = 5   # co2, ch4, c2h6, c3h8, h2
DESC_DIM = 8        # mol_wt, num_atoms, sasa, logP, psa, hbd, hba, partial_charge_std
BATCH = 16384


def setup_inputs(seed: int = 0) -> dict:
    key = jax.random.key(seed)
    k1, k2, k3 = jax.random.split(key, 3)
    # 'batch' arg is accepted but unused by the original forward
    batch = jax.random.normal(k1, (BATCH, DESC_DIM), dtype=jnp.float32)
    # label: integer ids standing in for the string molecule names
    label = jax.random.randint(k2, (BATCH,), 0, NUM_MOLECULES, dtype=jnp.int32)
    # descriptor table: stands in for the precomputed RDKit descriptor vectors
    # stored in the nn.ParameterDict (5 molecules x 8 descriptors)
    table = jax.random.normal(k3, (NUM_MOLECULES, DESC_DIM), dtype=jnp.float32)
    return {"batch": batch, "label": label, "table": table}


def reference(batch, label, table):
    # torch.stack([self.map[l] for l in label]) == row-gather from the
    # descriptor table keyed by the (integerized) label.
    emb = jnp.take(table, label, axis=0)
    return emb

if __name__ == "__main__":
    import jax
    _d = setup_inputs()
    print(jax.jit(kernel)(*tuple(_d.values())))

</pallas_src>

<mosaic_0001>
#map = affine_map<(d0, d1) -> (0, 0)>
#map1 = affine_map<(d0, d1) -> (0)>
module attributes {stable_mosaic.version = 14 : i64} {
  func.func @lookup(%arg0: i32, %arg1: i32, %arg2: memref<32x4096xi32, #tpu.memory_space<hbm>>, %arg3: memref<640xf32, #tpu.memory_space<hbm>>, %arg4: memref<16384x8xf32, #tpu.memory_space<hbm>>, %arg5: memref<4096xi32, #tpu.memory_space<vmem>>, %arg6: memref<640xf32, #tpu.memory_space<vmem>>, %arg7: memref<512x8xf32, #tpu.memory_space<vmem>>) attributes {dimension_semantics = [#tpu.dimension_semantics<core_parallel>, #tpu.dimension_semantics<subcore_parallel>], iteration_bounds = array<i64: 2, 16>, scalar_prefetch = 0 : i64, scratch_operands = 3 : i64, tpu.core_type = #tpu.core_type<sc_vector_subcore>, window_params = [{transform_indices = #map}, {transform_indices = #map1}, {transform_indices = #map}]} {
    %mul3A = arith.constant 2 : i32
    %mul3A_0 = arith.muli %arg1, %mul3A : i32
    %add3A = arith.addi %mul3A_0, %arg0 : i32
    "tpu.region"() ({
      %run_scoped3A = tpu.sem_alloc : memref<!tpu.dma_semaphore, #tpu.memory_space<semaphore_mem>>
      tpu.enqueue_dma source(%arg3 : memref<640xf32, #tpu.memory_space<hbm>>) target(%arg6 : memref<640xf32, #tpu.memory_space<vmem>>) target_semaphore(%run_scoped3A : memref<!tpu.dma_semaphore, #tpu.memory_space<semaphore_mem>>)
      tpu.wait_dma2 semaphore(%run_scoped3A : memref<!tpu.dma_semaphore, #tpu.memory_space<semaphore_mem>>) src(%arg3 : memref<640xf32, #tpu.memory_space<hbm>>) dst(%arg6 : memref<640xf32, #tpu.memory_space<vmem>>)
      tpu.yield
    }) : () -> ()
    "tpu.region"() ({
      %run_scoped3A = tpu.sem_alloc : memref<!tpu.dma_semaphore, #tpu.memory_space<semaphore_mem>>
      %dma_start3A = arith.constant 0 : i32
      %dma_start3A_13 = tpu.memref_slice %arg2[%add3A, %dma_start3A] : memref<32x4096xi32, #tpu.memory_space<hbm>> -> memref<1x4096xi32, #tpu.memory_space<hbm>>
      %dma_start3A_14 = tpu.memref_squeeze %dma_start3A_13 : memref<1x4096xi32, #tpu.memory_space<hbm>> -> memref<4096xi32, #tpu.memory_space<hbm>>
      %dma_start3A_15 = arith.constant 0 : i32
      %dma_start3A_16 = tpu.memref_slice %arg2[%add3A, %dma_start3A_15] : memref<32x4096xi32, #tpu.memory_space<hbm>> -> memref<1x4096xi32, #tpu.memory_space<hbm>>
      %dma_start3A_17 = tpu.memref_squeeze %dma_start3A_16 : memref<1x4096xi32, #tpu.memory_space<hbm>> -> memref<4096xi32, #tpu.memory_space<hbm>>
      tpu.enqueue_dma source(%dma_start3A_17 : memref<4096xi32, #tpu.memory_space<hbm>>) target(%arg5 : memref<4096xi32, #tpu.memory_space<vmem>>) target_semaphore(%run_scoped3A : memref<!tpu.dma_semaphore, #tpu.memory_space<semaphore_mem>>)
      %dma_wait3A = arith.constant 0 : i32
      %dma_wait3A_18 = tpu.memref_slice %arg2[%add3A, %dma_wait3A] : memref<32x4096xi32, #tpu.memory_space<hbm>> -> memref<1x4096xi32, #tpu.memory_space<hbm>>
      %dma_wait3A_19 = tpu.memref_squeeze %dma_wait3A_18 : memref<1x4096xi32, #tpu.memory_space<hbm>> -> memref<4096xi32, #tpu.memory_space<hbm>>
      %dma_wait3A_20 = arith.constant 0 : i32
      %dma_wait3A_21 = tpu.memref_slice %arg2[%add3A, %dma_wait3A_20] : memref<32x4096xi32, #tpu.memory_space<hbm>> -> memref<1x4096xi32, #tpu.memory_space<hbm>>
      %dma_wait3A_22 = tpu.memref_squeeze %dma_wait3A_21 : memref<1x4096xi32, #tpu.memory_space<hbm>> -> memref<4096xi32, #tpu.memory_space<hbm>>
      tpu.wait_dma2 semaphore(%run_scoped3A : memref<!tpu.dma_semaphore, #tpu.memory_space<semaphore_mem>>) src(%dma_wait3A_22 : memref<4096xi32, #tpu.memory_space<hbm>>) dst(%arg5 : memref<4096xi32, #tpu.memory_space<vmem>>)
      tpu.yield
    }) : () -> ()
    %iota3A = tpu.iota {dimensions = array<i32: 0>} : vector<16xi32>
    %shift_right_logical3A = arith.constant 3 : i32
    %shift_right_logical3A_1 = vector.broadcast %shift_right_logical3A : i32 to vector<16xi32>
    %shift_right_logical3A_2 = arith.shrui %iota3A, %shift_right_logical3A_1 : vector<16xi32>
    %and3A = arith.constant 7 : i32
    %and3A_3 = vector.broadcast %and3A : i32 to vector<16xi32>
    %and3A_4 = arith.andi %iota3A, %and3A_3 : vector<16xi32>
    %mul3A_5 = arith.constant 16 : i32
    %mul3A_6 = vector.broadcast %mul3A_5 : i32 to vector<16xi32>
    %mul3A_7 = arith.muli %and3A_4, %mul3A_6 : vector<16xi32>
    %add3A_8 = arith.addi %mul3A_7, %iota3A : vector<16xi32>
    %parallel_loop3A = arith.constant 0 : i32
    %parallel_loop3A_9 = arith.constant 256 : i32
    %parallel_loop3A_10 = arith.constant 1 : i32
    scf.for %parallel_loop3A_13 = %parallel_loop3A to %parallel_loop3A_9 step %parallel_loop3A_10  : i32 {
      %parallel_loop3A_14 = arith.constant 16 : i32
      %parallel_loop3A_15 = arith.muli %parallel_loop3A_13, %parallel_loop3A_14 : i32
      %parallel_loop3A_16 = arith.index_cast %parallel_loop3A_15 : i32 to index
      %parallel_loop3A_17 = tpu.vector_load %arg5[%parallel_loop3A_16] {strides = array<i32>} : memref<4096xi32, #tpu.memory_space<vmem>>, vector<16xi32>,
      %parallel_loop3A_18 = arith.constant 7 : i32
      %parallel_loop3A_19 = vector.broadcast %parallel_loop3A_18 : i32 to vector<16xi32>
      %parallel_loop3A_20 = arith.shli %parallel_loop3A_17, %parallel_loop3A_19 : vector<16xi32>
      %parallel_loop3A_21 = arith.addi %parallel_loop3A_20, %add3A_8 : vector<16xi32>
      %parallel_loop3A_22 = tpu.vector_load_idx %arg6[%parallel_loop3A_21] : memref<640xf32, #tpu.memory_space<vmem>>[vector<16xi32>], vector<16xf32>,
      %parallel_loop3A_23 = arith.constant 2 : i32
      %parallel_loop3A_24 = arith.muli %parallel_loop3A_13, %parallel_loop3A_23 : i32
      %parallel_loop3A_25 = vector.broadcast %parallel_loop3A_24 : i32 to vector<16xi32>
      %parallel_loop3A_26 = arith.addi %shift_right_logical3A_2, %parallel_loop3A_25 : vector<16xi32>
      tpu.vector_store_idx %arg7[%parallel_loop3A_26, %and3A_4], %parallel_loop3A_22 : memref<512x8xf32, #tpu.memory_space<vmem>>[vector<16xi32>, vector<16xi32>], vector<16xf32>,
    } {sc.loop_unroll_factor = 8 : i64, sc.parallel_access}
    %mul3A_11 = arith.constant 512 : i32
    %mul3A_12 = arith.muli %add3A, %mul3A_11 : i32
    "tpu.region"() ({
      %run_scoped3A = tpu.sem_alloc : memref<!tpu.dma_semaphore, #tpu.memory_space<semaphore_mem>>
      %dma_start3A = arith.constant 0 : i32
      %dma_start3A_13 = tpu.memref_slice %arg4[%mul3A_12, %dma_start3A] : memref<16384x8xf32, #tpu.memory_space<hbm>> -> memref<512x8xf32, #tpu.memory_space<hbm>>
      %dma_start3A_14 = arith.constant 0 : i32
      %dma_start3A_15 = tpu.memref_slice %arg4[%mul3A_12, %dma_start3A_14] : memref<16384x8xf32, #tpu.memory_space<hbm>> -> memref<512x8xf32, #tpu.memory_space<hbm>>
      tpu.enqueue_dma source(%arg7 : memref<512x8xf32, #tpu.memory_space<vmem>>) target(%dma_start3A_15 : memref<512x8xf32, #tpu.memory_space<hbm>>) target_semaphore(%run_scoped3A : memref<!tpu.dma_semaphore, #tpu.memory_space<semaphore_mem>>)
      %dma_wait3A = arith.constant 0 : i32
      %dma_wait3A_16 = tpu.memref_slice %arg4[%mul3A_12, %dma_wait3A] : memref<16384x8xf32, #tpu.memory_space<hbm>> -> memref<512x8xf32, #tpu.memory_space<hbm>>
      %dma_wait3A_17 = arith.constant 0 : i32
      %dma_wait3A_18 = tpu.memref_slice %arg4[%mul3A_12, %dma_wait3A_17] : memref<16384x8xf32, #tpu.memory_space<hbm>> -> memref<512x8xf32, #tpu.memory_space<hbm>>
      tpu.wait_dma2 semaphore(%run_scoped3A : memref<!tpu.dma_semaphore, #tpu.memory_space<semaphore_mem>>) src(%arg7 : memref<512x8xf32, #tpu.memory_space<vmem>>) dst(%dma_wait3A_18 : memref<512x8xf32, #tpu.memory_space<hbm>>)
      tpu.yield
    }) : () -> ()
    return
  }
}

</mosaic_0001>

<sc_bundles>
// kernel: kernel.3.cloned.1.call-start
scs
__scs_entry_jumppad:
0x0: {  	(pc) =	sbr.rel $0x88, $3  }
0x1: {  	(tag) =	ssettag $0x0;
	lr =	simm.s32 $0x1  }
0x2: {  	[smem:$0x3F9F] =	sst lr;
	_ =	strace $0xD0000000  }
0x3: {  	_ = 	snop  }
0x4: {  	_ = 	snop  }
0x5: {  	_ = 	snop  }
0x6: {  	_ = 	snop  }
0x7: {  	_ = 	snop  }
__scs_overlays_trampoline_lowered:
0x8: {  	[smem:$0x3FAE] =	sst s0  }
0x9: {  	[smem:$0x3FAF] =	sst s1  }
0xa: {  	[smem:$0x3FB0] =	sst s2  }
0xb: {  	[smem:$0x3FB1] =	sst s3  }
0xc: {  	[smem:$0x3FB2] =	sst s4  }
0xd: {  	[smem:$0x3FB3] =	sst s5  }
0xe: {  	[smem:$0x3FB4] =	sst s6  }
0xf: {  	[smem:$0x3FB5] =	sst s7  }
0x10: {  	[smem:$0x3FB6] =	sst s8  }
0x11: {  	[smem:$0x3FB7] =	sst s9;
	s0 =	simm.s32 @!p0 $0x0  }
0x12: {  	s1 =	sld [smem:$0x3F9D];
	s0 =	simm.s32 @p0 $0x1  }
0x13: {  	[smem:$0x3FB8] =	sst s0;
	s0 =	simm.s32 @!p1 $0x0  }
0x14: {  	s2 =	sld [smem:$0x3F9C];
	s0 =	simm.s32 @p1 $0x1  }
0x15: {  	[smem:$0x3FB9] =	sst s0;
	s0 =	simm.s32 @!p2 $0x0  }
0x16: {  	s3 =	sld [smem:$0x3FDB];
	s0 =	simm.s32 @p2 $0x1  }
0x17: {  	s4 =	simm.s32 $0x1BF5;
	[smem:$0x3FBB] =	sst s0  }
0x18: {  	s0 =	sld [smem:$0x3F9E];
	_ =	swait.ge [sflag:s4], $0x0  }
0x19: {  	s7 =	sld [smem:$0x3F9F]  }
0x1a: {  	s8 =	sadd.s32 $0xFFFFE003, lr  }
0x1b: {  	s9 =	sadd.s32 $0xFFFFFEF7, lr;
	s5 =	simm.s32 $0xFFFFFFFF;
	p2 =	slt.u32 s8, $0xFFFFF086  }
0x1c: {  	p1 =	slt.u32 s9, $0xF7A;
	s5 =	simm.s32 @!p2 $0x0  }
0x1d: {  	s5 =	simm.s32 @p1 $0x1;
	p0 =	seq.s32 s7, s2  }
0x1e: {  	s7 =	smul.u32 @!p0 $0xF7A, s2;
	p2 =	seq.s32 @!p0 s5, $0x0  }
0x1f: {  	s9 =	smul.u32 $0xF7A, s1;
	s8 =	simm.s32 @!p0 $0x1BF5;
	p2 =	por !p2, p0  }
0x20: {  	[sflag:s8] =	ssyncset.s32 @!p0 $0xFFFFF086;
	s6 =	sadd.s32 @!p0 s3, s7;
	s7 =	simm.s32 @!p0 $0x108  }
0x21: {  	s3 =	sadd.s32 s3, s9;
	s6 =	sadd.s32 @!p0 $0x88, s6;
	s7 =	simm.s32 @p2 $0x1082  }
0x22: {  	[simem:s7], [sflag:s8] =	dma.local @!p0 [hbm:s6], $0xF7A  }
0x23: {  	s9 =	sor.u32 $0xD0000000, s2;
	s6 =	simm.s32 $0x108;
	_ =	swait.ge @!p0 [sflag:s8], $0x0  }
0x24: {  	s3 =	sadd.s32 $0x88, s3;
	s6 =	simm.s32 @!p1 $0x1082;
	[sflag:s4] =	ssyncset.s32 $0xFFFFF086  }
0x25: {  	[simem:s6], [sflag:s4] =	dma.local [hbm:s3], $0xF7A  }
0x26: {  	[smem:$0x3F9F] =	sst s1;
	(tag) =	ssettag s2;
	_ =	strace s9  }
0x27: {  	s1 =	sld [smem:$0x3FAF]  }
0x28: {  	s2 =	sld [smem:$0x3FB0]  }
0x29: {  	s4 =	sld [smem:$0x3FB2]  }
0x2a: {  	p0 =	seq.s32 s5, $0x0;
	s5 =	sld [smem:$0x3FB3]  }
0x2b: {  	s6 =	sld [smem:$0x3FB4]  }
0x2c: {  	s7 =	sld [smem:$0x3FB5]  }
0x2d: {  	s3 =	simm.s32 $0x108;
	s8 =	sld [smem:$0x3FB6]  }
0x2e: {  	s3 =	simm.s32 @!p0 $0x1082;
	s9 =	sld [smem:$0x3FB7]  }
0x2f: {  	lr =	sadd.s32 s0, s3;
	s0 =	sld [smem:$0x3FAE]  }
0x30: {  	s3 =	sld [smem:$0x3FB1]  }
0x31: {  	[smem:$0x3FBA] =	sst s10  }
0x32: {  	s10 =	sld [smem:$0x3FB8];
	_ =	sdelay $0x3  }
0x33: {  	p0 =	seq.s32 s10, $0x1;
	s10 =	sld [smem:$0x3FBA];
	_ =	sdelay $0x3  }
0x34: {  	[smem:$0x3FBA] =	sst s10  }
0x35: {  	s10 =	sld [smem:$0x3FB9];
	_ =	sdelay $0x3  }
0x36: {  	p1 =	seq.s32 s10, $0x1;
	s10 =	sld [smem:$0x3FBA];
	_ =	sdelay $0x3  }
0x37: {  	[smem:$0x3FBA] =	sst s10  }
0x38: {  	s10 =	sld [smem:$0x3FBB]  }
0x39: {  	_ = 	snop;
	(pc) =	sbr.ind lr, $3  }
0x3a: {  	_ = 	snop  }
0x3b: {  	_ = 	snop  }
0x3c: {  	p2 =	seq.s32 s10, $0x1;
	s10 =	sld [smem:$0x3FBA]  }
0x3d: {  	_ =	shalt  }
0x3e: {  	_ =	shalt  }
0x3f: {  	_ =	shalt  }
0x40: {  	_ =	shalt  }
0x41: {  	_ =	shalt  }
0x42: {  	_ =	shalt  }
0x43: {  	_ =	shalt  }
0x44: {  	_ =	shalt  }
0x45: {  	_ =	shalt  }
0x46: {  	_ =	shalt  }
0x47: {  	_ =	shalt  }
0x48: {  	_ =	shalt  }
0x49: {  	_ =	shalt  }
0x4a: {  	_ =	shalt  }
0x4b: {  	_ =	shalt  }
0x4c: {  	_ =	shalt  }
0x4d: {  	_ =	shalt  }
0x4e: {  	_ =	shalt  }
0x4f: {  	_ =	shalt  }
0x50: {  	_ =	shalt  }
0x51: {  	_ =	shalt  }
0x52: {  	_ =	shalt  }
0x53: {  	_ =	shalt  }
0x54: {  	_ =	shalt  }
0x55: {  	_ =	shalt  }
0x56: {  	_ =	shalt  }
0x57: {  	_ =	shalt  }
0x58: {  	_ =	shalt  }
0x59: {  	_ =	shalt  }
0x5a: {  	_ =	shalt  }
0x5b: {  	_ =	shalt  }
0x5c: {  	_ =	shalt  }
0x5d: {  	_ =	shalt  }
0x5e: {  	_ =	shalt  }
0x5f: {  	_ =	shalt  }
0x60: {  	_ =	shalt  }
0x61: {  	_ =	shalt  }
0x62: {  	_ =	shalt  }
0x63: {  	_ =	shalt  }
0x64: {  	_ =	shalt  }
0x65: {  	_ =	shalt  }
0x66: {  	_ =	shalt  }
0x67: {  	_ =	shalt  }
0x68: {  	_ =	shalt  }
0x69: {  	_ =	shalt  }
0x6a: {  	_ =	shalt  }
0x6b: {  	_ =	shalt  }
0x6c: {  	_ =	shalt  }
0x6d: {  	_ =	shalt  }
0x6e: {  	_ =	shalt  }
0x6f: {  	_ =	shalt  }
0x70: {  	_ =	shalt  }
0x71: {  	_ =	shalt  }
0x72: {  	_ =	shalt  }
0x73: {  	_ =	shalt  }
0x74: {  	_ =	shalt  }
0x75: {  	_ =	shalt  }
0x76: {  	_ =	shalt  }
0x77: {  	_ =	shalt  }
0x78: {  	_ =	shalt  }
0x79: {  	_ =	shalt  }
0x7a: {  	_ =	shalt  }
0x7b: {  	_ =	shalt  }
0x7c: {  	_ =	shalt  }
0x7d: {  	_ =	shalt  }
0x7e: {  	_ =	shalt  }
0x7f: {  	_ =	shalt  }
0x80: {  	_ =	shalt  }
0x81: {  	_ =	shalt  }
0x82: {  	_ =	shalt  }
0x83: {  	_ =	shalt  }
0x84: {  	_ =	shalt  }
0x85: {  	_ =	shalt  }
0x86: {  	_ =	shalt  }
0x87: {  	_ =	shalt  }
.Lfunc_end0:
.L_simem_size_0:
called_computation_lowered:
.L_overlay_start_0:
0x88: {  	s2 =	sld [smem:$0x3FD9]  }
0x89: {  	s3 =	sld [smem:$0x3FFE];
	_ =	sdelay $0x1  }
0x8a: {  	s1 =	srdreg.scid  }
0x8b: {  	s0 =	sand.u32 $0x1, s1  }
0x8c: {  	s17 =	sshll.u32 s0, $0xA;
	s2 =	sadd.s32 s3, s2  }
0x8d: {  	s2 =	sadd.s32 s2, s17  }
0x8e: {  	[smem:$0x3FC6] =	sst s2  }
0x8f: {  	_ = 	snop  }
0x90: {  	s2 =	sld [smem:$0x3FD0];
	(tm) =	ssettm $0x1  }
0x91: {  	s18 =	sld [smem:$0x3FFB];
	_ =	sdelay $0x3  }
0x92: {  	_ =	strace s18  }
0x93: {  	s3 =	sld [smem:$0x3FFC];
	_ =	sdelay $0x3  }
0x94: {  	_ =	strace s3  }
0x95: {  	s3 =	sld [smem:$0x3FFD];
	_ =	sdelay $0x3  }
0x96: {  	_ =	strace s3  }
0x97: {  	_ =	strace $0x8FFFFFFF  }
0x98: {  	s19 =	sld [smem:$0x3FDB];
	_ =	sdelay $0x1  }
0x99: {  	s4 =	simm.s32 $_scs_section_size  }
0x9a: {  	s5 =	simm.s32 $_size__tile_overlayer_lowered;
	s6 =	simm.s32 $_tile_overlayer_lowered  }
0x9b: {  	s22 =	simm.s32 $0x1BFF;
	s21 =	sshll.u32 s6, $0x1;
	s3 =	sadd.s32 s4, s19  }
0x9c: {  	s7 =	simm.s32 $0x0;
	s20 =	sshll.u32 s5, $0x1;
	s5 =	sadd.s32 s21, s3  }
0x9d: {  	[timem:s7], [sflag:s22] =	dma.local [hbm:s5], s20  }
0x9e: {  	_ =	swait.ge [sflag:s22], s20  }
0x9f: {  	s4 =	ssub.s32 $0x0, s20;
	[sflag:s22] =	ssyncset.done $0x0  }
0xa0: {  	[sflag:s22] =	ssyncadd.s32 s4;
	_ =	sdelay $0x1  }
0xa1: {  	s23 =	simm.s32 $0x1B8B  }
0xa2: {  	_ =	swait.ge [sflag:s23], $0x1  }
0xa3: {  	[sflag:s23] =	ssyncset.done $0x0  }
0xa4: {  	s25 =	simm.s32 $0x1B8E;
	s24 =	sld [smem:$0x3FFE];
	[sflag:s23] =	ssyncadd.s32 $0xFFFFFFFF  }
0xa5: {  	s26 =	simm.s32 $execute0_lowered;
	[smem:$0x3FD2] =	sst s25  }
0xa6: {  	s5 =	sshll.u32 s26, $0x1;
	_ =	strace $0x80000046;
	[dreg:$0x1] =	wrdreg $0xFFFFFFFF  }
0xa7: {  	s28 =	simm.s32 $_size_execute0_lowered;
	s3 =	sadd.s32 s3, s5;
	[dreg:$0x0] =	wrdreg $0x0  }
0xa8: {  	s5 =	sshll.u32 s28, $0x1;
	[dreg:$0x2] =	wrdreg s3  }
0xa9: {  	[dreg:$0x3] =	wrdreg s5  }
0xaa: {  	[dreg:$0x4] =	wrdreg $0xC0  }
0xab: {  	_ =	task [dreg:s7], $0x5FFFF  }
0xac: {  	[dreg:$0x1] =	wrdreg $0xFFFFFFFF  }
0xad: {  	[dreg:$0x0] =	wrdreg $0x60  }
0xae: {  	[dreg:$0x2] =	wrdreg s2  }
0xaf: {  	[dreg:$0x3] =	wrdreg s24  }
0xb0: {  	[dreg:$0x4] =	wrdreg $0x9  }
0xb1: {  	_ =	task.clear_ibuf [dreg:s7], $0x5FFFF;
	_ =	strace $0x90000046  }
0xb2: {  	s29 =	simm.s32 $0x9;
	_ =	strace $0x80000048  }
0xb3: {  	_ =	swait.ge [sflag:s29], $0x1  }
0xb4: {  	[sflag:s29] =	ssyncadd.s32 $0xFFFFFFFF  }
0xb5: {  	_ =	strace $0x90000048  }
0xb6: {  	_ =	sfence  }
0xb7: {  	s30 =	sld [smem:$0x0];
	_ =	sdelay $0x2  }
0xb8: {  	s31 =	sshll.u32 s1, $0xD;
	s1 =	sshrl.u32 s1, $0x2  }
0xb9: {  	s3 =	sand.u32 $0x4000, s31;
	s1 =	sadd.s32 s1, s30  }
0xba: {  	s0 =	sor.u32 s3, s0;
	s1 =	sshll.u32 s1, $0x11  }
0xbb: {  	s0 =	sor.u32 s1, s0  }
0xbc: {  	s0 =	sadd.s32 $0x8F2B, s0  }
0xbd: {  	[sflag:s0] =	ssyncadd.remote.s32 $0x1  }
0xbe: {  	_ =	sfence.sel $0xFFFF  }
0xbf: {  	[dreg:$0x0] =	wrdreg $0xFFFFFFFF;
	(pc) =	sbr.abs _section_cstart, $3  }
0xc0: {  	[dreg:$0x1] =	wrdreg $0xFFFFFFFF  }
0xc1: {  	_ =	task.clear_ibuf [dreg:s7], $0x2FFFF;
	_ =	strace $0x9FFFFFFF  }
0xc2: {  	(tm) =	ssettm $0x7FFFFFFF  }
0xc3: {  	_ =	shalt  }
tec
execute0_lowered:
.L_overlay_start_1:
0x0: {  	(tag) =	ssettag $0x1  }
0x1: {  	s4 =	rddreg [dreg:$0x0]  }
0x2: {  	s5 =	rddreg [dreg:$0x1]  }
0x3: {  	s0 =	rddreg [dreg:$0x2];
	s2 =	simm.s32 $0x0  }
0x4: {  	s3 =	srdreg.scid;
	s1 =	stileid.u32;
	s10 =	simm.s32 $0x400  }
0x5: {  	s11 =	simm.s32 $0x1280;
	s12 =	simm.s32 $0x0;
	[smem:$0x7FF] =	sst s2  }
0x6: {  	v0 =	vimm.s32 $0x3B2A1908;
	s6 =	sand.u32 $0x1, s3;
	s7 =	sshll.u32 s1, $0x1;
	s3 =	sadd.s32 $0x400, s5  }
0x7: {  	v1 =	vimm.s32 $0x7F6E5D4C;
	s8 =	sshll.u32 s1, $0xA;
	_ =	strace $0x80000047;
	s7 =	sor.u32 s6, s7  }
0x8: {  	v2 =	vimm.s32 $0x33221100;
	v3 =	vimm.s32 $0x77665544;
	v0 =	vunpack.c.0.s8.s32 v0;
	s6 =	ssub.s32 $0x2, s6;
	s8 =	sand.u32 $0x3000, s8;
	s9 =	sshll.u32 s7, $0xD  }
0x9: {  	v1 =	vunpack.c.0.s8.s32 v1;
	v2 =	vunpack.c.0.s8.s32 v2;
	v3 =	vunpack.c.0.s8.s32 v3;
	s31 =	sshrl.u32 s6, $0x1;
	s7 =	sshll.u32 s7, $0x4;
	s4 =	sadd.s32 s4, s8  }
0xa: {  	v4 =	vlaneseq.u32;
	vm0 =	vcmask $0x1F10;
	s8 =	simm.s32 $0x1;
	s5 =	sadd.s32 s9, s5;
	s7 =	sand.u32 $0x70, s7  }
0xb: {  	v1 =	vsel vm0, v1, v0;
	v0 =	vshrl.u32 v4, $0x3;
	v2 =	vsel vm0, v3, v2;
	s6 =	ssub.s32 s6, s31;
	s9 =	simm.s32 $0x80;
	s4 =	sadd.s32 s7, s4  }
0xc: {  	v0 =	vmul.u32 $0x80, v0;
	v1 =	vcombine.low v2, v1;
	v2 =	vand.u32 $0x7, v4;
	s5 =	sadd.s32 $0x600, s5;
	s6 =	smax.u32 s6, $0x1;
	s7 =	simm.s32 $0x1000  }
.LBB2_1:
0xd: {  	[tilespmem:s7], [sflag:$0x1] =	stream.linear.gather [hbm4b:s3+s2], $0x280, $0x38;
	[tilespmem:$0x11280] =	vst v63  }
0xe: {  	_ =	swait.ge [sflag:s8], $0x280  }
0xf: {  	[sflag:s8] =	ssyncset.done $0x0  }
0x10: {  	[sflag:s8] =	ssyncadd.s32 $0xFFFFFD80  }
0x11: {  	[tilespmem:s2], [sflag:$0x1] =	stream.strided.gather [hbm4b:s4+s9], $0x1000, s10, s9, $0x38;
	[tilespmem:$0x11280] =	vst v63  }
0x12: {  	_ =	swait.ge [sflag:s8], $0x1000  }
0x13: {  	[sflag:s8] =	ssyncset.done $0x0  }
0x14: {  	s13 =	simm.s32 $0x40;
	[sflag:s8] =	ssyncadd.s32 $0xFFFFF000  }
0x15: {  	v3 =	vld [tilespmem:s13+$0x30]  }
0x16: {  	v4 =	vld [tilespmem:s13+$0xFFFFFFD0]  }
0x17: {  	v5 =	vld [tilespmem:s13+$0xFFFFFFE0]  }
0x18: {  	s21 =	simm.s32 $0xE;
	v6 =	vld [tilespmem:s13+$0xFFFFFFF0]  }
0x19: {  	s14 =	simm.s32 $0x2;
	s15 =	simm.s32 $0x4;
	s17 =	simm.s32 $0x8;
	v11 =	vmov s21;
	v7 =	vld [tilespmem:s13+$0x0]  }
0x1a: {  	s24 =	simm.s32 $0xC;
	v13 =	vmov s14;
	v15 =	vmov s15;
	v16 =	vmov s17;
	v8 =	vld [tilespmem:s13+$0x10]  }
0x1b: {  	v17 =	vmov s24;
	v11 =	vshll.u32 v11, $0x7;
	v9 =	vld [tilespmem:s13+$0x20];
	v3 =	vshll.u32 v3, $0x7  }
0x1c: {  	s25 =	simm.s32 $0xC0;
	v13 =	vshll.u32 v13, $0x7;
	v10 =	vld [tilespmem:s13+$0xFFFFFFC0];
	v4 =	vshll.u32 v4, $0x7;
	v3 =	vor.u32 v1, v3  }
0x1d: {  	v15 =	vshll.u32 v15, $0x7;
	v19 =	vld [tilespmem:s25+$0x30];
	v5 =	vshll.u32 v5, $0x7;
	v4 =	vor.u32 v1, v4  }
0x1e: {  	v16 =	vshll.u32 v16, $0x7;
	v20 =	vld [tilespmem:s25+$0xFFFFFFD0];
	v6 =	vshll.u32 v6, $0x7;
	v5 =	vor.u32 v1, v5  }
0x1f: {  	v17 =	vshll.u32 v17, $0x7;
	v21 =	vld [tilespmem:s25+$0xFFFFFFE0];
	v7 =	vshll.u32 v7, $0x7;
	v6 =	vor.u32 v1, v6  }
0x20: {  	v11 =	vor.u32 v0, v11;
	v13 =	vor.u32 v0, v13;
	v22 =	vld [tilespmem:s25+$0xFFFFFFF0];
	v7 =	vor.u32 v1, v7  }
0x21: {  	v15 =	vor.u32 v0, v15;
	v16 =	vor.u32 v0, v16;
	v17 =	vor.u32 v0, v17;
	v3 =	vld.idx.msk [tilespmem:v3+s7+$0x0], $0xffff  }
0x22: {  	v13 =	vor.u32 v2, v13;
	v15 =	vor.u32 v2, v15;
	v8 =	vshll.u32 v8, $0x7;
	v12 =	vld.idx.msk [tilespmem:v4+s7+$0x0], $0xffff  }
0x23: {  	v9 =	vshll.u32 v9, $0x7;
	v10 =	vshll.u32 v10, $0x7;
	v8 =	vor.u32 v1, v8;
	v14 =	vld.idx.msk [tilespmem:v5+s7+$0x0], $0xffff  }
0x24: {  	s22 =	simm.s32 $0x0;
	s16 =	simm.s32 $0x6;
	s23 =	simm.s32 $0xA;
	v9 =	vor.u32 v1, v9;
	v10 =	vor.u32 v1, v10;
	v4 =	vor.u32 v2, v11;
	v18 =	vld.idx.msk [tilespmem:v6+s7+$0x0], $0xffff  }
0x25: {  	v11 =	vmov s22;
	v6 =	vmov s16;
	v5 =	vld.idx.msk [tilespmem:v7+s7+$0x0], $0xffff;
	v7 =	vmov s23  }
0x26: {  	v23 =	vld [tilespmem:s25+$0x0];
	v11 =	vshll.u32 v11, $0x7;
	v6 =	vshll.u32 v6, $0x7;
	v7 =	vshll.u32 v7, $0x7  }
0x27: {  	v27 =	vld [tilespmem:s25+$0xFFFFFFC0];
	v11 =	vor.u32 v0, v11;
	v6 =	vor.u32 v0, v6;
	v7 =	vor.u32 v0, v7  }
0x28: {  	v25 =	vor.u32 v2, v11;
	v11 =	vshll.u32 v19, $0x7;
	v19 =	vor.u32 v2, v6  }
0x29: {  	v24 =	vld [tilespmem:s25+$0x10];
	v6 =	vshll.u32 v20, $0x7;
	v26 =	vor.u32 v1, v11;
	v11 =	vor.u32 v2, v16  }
0x2a: {  	v20 =	vld [tilespmem:s25+$0x20];
	v28 =	vor.u32 v1, v6;
	v6 =	vshll.u32 v22, $0x7;
	[tilespmem:v4+s11+$0x0] =	vst.idx.msk $0xffff, v3;
	v3 =	vshll.u32 v21, $0x7  }
0x2b: {  	s13 =	simm.s32 $0x1E;
	v29 =	vld.idx.msk [tilespmem:v10+s7+$0x0], $0xffff;
	v4 =	vor.u32 v2, v7;
	v22 =	vor.u32 v1, v6;
	v6 =	vshll.u32 v23, $0x7  }
0x2c: {  	s26 =	simm.s32 $0x10;
	v10 =	vld.idx.msk [tilespmem:v8+s7+$0x0], $0xffff;
	v7 =	vmov s13;
	[tilespmem:v15+s11+$0x0] =	vst.idx.msk $0xffff, v14;
	v14 =	vshll.u32 v27, $0x7;
	v21 =	vor.u32 v1, v3  }
0x2d: {  	s29 =	simm.s32 $0x14;
	[tilespmem:v13+s11+$0x0] =	vst.idx.msk $0xffff, v12;
	v13 =	vld.idx.msk [tilespmem:v9+s7+$0x0], $0xffff;
	v15 =	vmov s26;
	v30 =	vor.u32 v1, v6;
	v7 =	vshll.u32 v7, $0x7  }
0x2e: {  	v23 =	vmov s29;
	v3 =	vor.u32 v2, v17;
	v12 =	vor.u32 v0, v7;
	v16 =	vld.idx.msk [tilespmem:v26+s7+$0x0], $0xffff  }
0x2f: {  	s30 =	simm.s32 $0x16;
	v6 =	vshll.u32 v24, $0x7;
	v8 =	vshll.u32 v20, $0x7;
	v17 =	vor.u32 v2, v12;
	v9 =	vld.idx.msk [tilespmem:v28+s7+$0x0], $0xffff  }
0x30: {  	s28 =	simm.s32 $0x12;
	s19 =	simm.s32 $0x1C;
	v14 =	vor.u32 v1, v14;
	v24 =	vmov s30;
	v7 =	vor.u32 v1, v8;
	v8 =	vld.idx.msk [tilespmem:v22+s7+$0x0], $0xffff  }
0x31: {  	s18 =	simm.s32 $0x18;
	s31 =	simm.s32 $0x1A;
	v6 =	vor.u32 v1, v6;
	v20 =	vmov s28;
	[tilespmem:v19+s11+$0x0] =	vst.idx.msk $0xffff, v18;
	v19 =	vmov s19;
	v12 =	vld.idx.msk [tilespmem:v21+s7+$0x0], $0xffff  }
0x32: {  	s14 =	simm.s32 $0x8;
	s15 =	simm.s32 $0x140;
	v18 =	vshll.u32 v15, $0x7;
	[tilespmem:v25+s11+$0x0] =	vst.idx.msk $0xffff, v29;
	v22 =	vmov s31;
	v21 =	vmov s18;
	v15 =	vld.idx.msk [tilespmem:v30+s7+$0x0], $0xffff  }
.LBB2_2:
0x33: {  	v25 =	vld [tilespmem:s15+$0x30];
	s14 =	sadd.s32 $0x8, s14;
	v20 =	vshll.u32 v20, $0x7;
	v23 =	vshll.u32 v23, $0x7;
	v24 =	vshll.u32 v24, $0x7;
	[tilespmem:v11+s11+$0x0] =	vst.idx.msk $0xffff, v5  }
0x34: {  	v11 =	vshll.u32 v21, $0x7;
	v21 =	vshll.u32 v22, $0x7;
	v19 =	vshll.u32 v19, $0x7;
	v5 =	vld [tilespmem:s15+$0xFFFFFFD0];
	p0 =	slt.u32 s14, $0xF8;
	[tilespmem:v17+s11+$0x0] =	vst.idx.msk $0xffff, v16  }
0x35: {  	v17 =	vor.u32 v0, v18;
	v18 =	vor.u32 v0, v20;
	v20 =	vor.u32 v0, v23;
	v16 =	vld [tilespmem:s15+$0xFFFFFFE0]  }
0x36: {  	v23 =	vor.u32 v0, v24;
	v11 =	vor.u32 v0, v11;
	v21 =	vor.u32 v0, v21;
	v22 =	vld [tilespmem:s15+$0xFFFFFFF0]  }
0x37: {  	v26 =	vor.u32 v2, v17;
	v17 =	vor.u32 v2, v18;
	v18 =	vor.u32 v0, v19;
	v24 =	vld [tilespmem:s15+$0x0]  }
0x38: {  	v20 =	vor.u32 v2, v20;
	v23 =	vor.u32 v2, v23;
	v19 =	vld [tilespmem:s15+$0x10];
	v25 =	vshll.u32 v25, $0x7;
	[tilespmem:v4+s11+$0x0] =	vst.idx.msk $0xffff, v10  }
0x39: {  	v11 =	vor.u32 v2, v11;
	v4 =	vshll.u32 v5, $0x7;
	v27 =	vld [tilespmem:s15+$0x20];
	v25 =	vor.u32 v1, v25;
	[tilespmem:v3+s11+$0x0] =	vst.idx.msk $0xffff, v13  }
0x3a: {  	v5 =	vmovc v15;
	v28 =	vld [tilespmem:s15+$0xFFFFFFC0];
	v29 =	vor.u32 v1, v4;
	v3 =	vshll.u32 v16, $0x7;
	v4 =	vor.u32 v2, v21  }
0x3b: {  	s13 =	sadd.s32 $0x10, s13;
	v15 =	vor.u32 v1, v3;
	v10 =	vshll.u32 v22, $0x7;
	v30 =	vld.idx.msk [tilespmem:v14+s7+$0x0], $0xffff;
	v3 =	vor.u32 v2, v18  }
0x3c: {  	s16 =	sadd.s32 $0xFFFFFFF2, s13;
	s17 =	sadd.s32 $0xFFFFFFF4, s13;
	s18 =	sadd.s32 $0xFFFFFFF6, s13;
	v14 =	vmov s13;
	v18 =	vor.u32 v1, v10;
	v13 =	vshll.u32 v24, $0x7;
	[tilespmem:v17+s11+$0x0] =	vst.idx.msk $0xffff, v9;
	v10 =	vld.idx.msk [tilespmem:v6+s7+$0x0], $0xffff  }
0x3d: {  	s19 =	sadd.s32 $0xFFFFFFF8, s13;
	s20 =	sadd.s32 $0xFFFFFFFA, s13;
	s21 =	sadd.s32 $0xFFFFFFFC, s13;
	v9 =	vshll.u32 v14, $0x7;
	v22 =	vor.u32 v1, v13;
	v6 =	vshll.u32 v19, $0x7;
	[tilespmem:v20+s11+$0x0] =	vst.idx.msk $0xffff, v12;
	v13 =	vld.idx.msk [tilespmem:v7+s7+$0x0], $0xffff  }
.Ltmp0:
0x3e: {  	s22 =	sadd.s32 $0xFFFFFFFE, s13;
	v12 =	vor.u32 v0, v9;
	v6 =	vor.u32 v1, v6;
	v7 =	vshll.u32 v27, $0x7;
	v16 =	vld.idx.msk [tilespmem:v25+s7+$0x0], $0xffff;
	(pc) =	sbr.rel @p0 .LBB2_2-.Ltmp0, $4  }
0x3f: {  	v17 =	vor.u32 v2, v12;
	v14 =	vshll.u32 v28, $0x7;
	v9 =	vld.idx.msk [tilespmem:v29+s7+$0x0], $0xffff;
	v7 =	vor.u32 v1, v7  }
0x40: {  	v19 =	vmov s16;
	v20 =	vmov s17;
	v14 =	vor.u32 v1, v14;
	v12 =	vld.idx.msk [tilespmem:v15+s7+$0x0], $0xffff;
	[tilespmem:v23+s11+$0x0] =	vst.idx.msk $0xffff, v8  }
0x41: {  	v21 =	vmov s20;
	v24 =	vmov s19;
	v23 =	vmov s18;
	v8 =	vld.idx.msk [tilespmem:v18+s7+$0x0], $0xffff  }
0x42: {  	s15 =	sadd.s32 $0x80, s15;
	v18 =	vshll.u32 v19, $0x7;
	v19 =	vmov s22;
	v15 =	vld.idx.msk [tilespmem:v22+s7+$0x0], $0xffff;
	v22 =	vmov s21;
	[tilespmem:v26+s11+$0x0] =	vst.idx.msk $0xffff, v30  }
0x43: {  	_ =	sdelay $0x2  }
0x44: {  	v20 =	vshll.u32 v20, $0x7;
	v23 =	vshll.u32 v23, $0x7;
	v59 =	vor.u32 v0, v18  }
0x45: {  	[tilespmem:v17+s11+$0x0] =	vst.idx.msk $0xffff, v16;
	v60 =	vld.idx.msk [tilespmem:v14+s7+$0x0], $0xffff;
	v20 =	vor.u32 v0, v20;
	v16 =	vor.u32 v2, v59  }
0x46: {  	v24 =	vshll.u32 v24, $0x7;
	v23 =	vor.u32 v0, v23;
	v20 =	vor.u32 v2, v20  }
0x47: {  	[tilespmem:v11+s11+$0x0] =	vst.idx.msk $0xffff, v5;
	v56 =	vshll.u32 v21, $0x7;
	v57 =	vor.u32 v0, v24;
	v58 =	vor.u32 v2, v23  }
0x48: {  	v22 =	vshll.u32 v22, $0x7;
	[tilespmem:v4+s11+$0x0] =	vst.idx.msk $0xffff, v10;
	v5 =	vor.u32 v0, v56;
	v11 =	vor.u32 v2, v57  }
0x49: {  	v61 =	vshll.u32 v19, $0x7;
	[tilespmem:v3+s11+$0x0] =	vst.idx.msk $0xffff, v13;
	v62 =	vor.u32 v0, v22;
	v5 =	vor.u32 v2, v5  }
0x4a: {  	v6 =	vld.idx.msk [tilespmem:v6+s7+$0x0], $0xffff;
	v3 =	vor.u32 v0, v61;
	v63 =	vor.u32 v2, v62;
	[tilespmem:v16+s11+$0x0] =	vst.idx.msk $0xffff, v60  }
0x4b: {  	v7 =	vld.idx.msk [tilespmem:v7+s7+$0x0], $0xffff;
	v3 =	vor.u32 v2, v3;
	[tilespmem:v20+s11+$0x0] =	vst.idx.msk $0xffff, v9  }
0x4c: {  	[tilespmem:v58+s11+$0x0] =	vst.idx.msk $0xffff, v12  }
0x4d: {  	[tilespmem:v11+s11+$0x0] =	vst.idx.msk $0xffff, v8  }
0x4e: {  	s12 =	sadd.s32 $0x1, s12;
	[tilespmem:v5+s11+$0x0] =	vst.idx.msk $0xffff, v15  }
0x4f: {  	p0 =	sne.s32 s12, s6;
	[tilespmem:v63+s11+$0x0] =	vst.idx.msk $0xffff, v6  }
.Ltmp1:
0x50: {  	[tilespmem:v3+s11+$0x0] =	vst.idx.msk $0xffff, v7;
	(pc) =	sbr.rel @p0 .LBB2_1-.Ltmp1, $4  }
0x51: {  	[hbm4b:s5+s2] =	stream.linear.scatter [tilespmem:s11], [sflag:$0x1], $0x10000, $0x38;
	[tilespmem:$0x11280] =	vst v63  }
0x52: {  	_ =	swait.ge [sflag:s8], $0x10000  }
0x53: {  	[sflag:s8] =	ssyncset.done $0x0  }
0x54: {  	[sflag:s8] =	ssyncadd.s32 $0xFFFF0000  }
0x55: {  	_ =	sfence.sel $0x180000  }
0x56: {  	[bflag:$0x0] =	sbarrier.arrive $0xFFFF  }
0x57: {  	p0 =	sne.s32 s1, $0x0;
	_ =	strace $0x90000047  }
0x58: {  	s0 =	sadd.s32 @!p0 $0x100000, s0;
	[bflag:$0x2] =	sbarrier.arrive $0xFFFF  }
0x59: {  	[sflag:s0] =	ssyncadd.tile.s32 @!p0 $0x1;
	_ =	shalt  }
.Lfunc_end2:
_tile_overlayer_lowered:
.L_overlay_start_2:
0x5a: {  	(tag) =	ssettag $0x2  }
0x5b: {  	s0 =	rddreg [dreg:$0x0];
	s2 =	stileid.u32  }
0x5c: {  	s1 =	rddreg [dreg:$0x1];
	p0 =	sne.s32 s2, $0x0  }
0x5d: {  	s3 =	rddreg [dreg:$0x2];
	[bflag:$0x3] =	sbarrier.arrive $0xFFFF;
	s2 =	simm.s32 @!p0 $0x1C01  }
0x5e: {  	[timem:s3], [sflag:s2] =	dma.local @!p0 [hbm:s0], s1  }
0x5f: {  	s0 =	simm.s32 @!p0 $0x1  }
0x60: {  	_ =	swait.ge @!p0 [sflag:s0], s1  }
0x61: {  	s1 =	ssub.s32 @!p0 $0x0, s1;
	[sflag:s0] =	ssyncset.done @!p0 $0x0  }
0x62: {  	[sflag:s0] =	ssyncadd.s32 @!p0 s1  }
0x63: {  	[bflag:$0x3] =	sbarrier.arrive $0xFFFF  }
0x64: {  	_ =	shalt  }

</sc_bundles>
